<compile_context>
chip_gen: v7x
topology: tpu7x:2x2x1
jax: 0.10.2.dev20260603
libtpu: 0.0.44.dev20260713+nightly
codegen_flags: <defaults>
</compile_context>

<pallas_src>
import jax
import jax.numpy as jnp
import numpy as np
from jax import lax
from jax.experimental import pallas as pl

F = np.float32


def _erfc_exact(x):
    ax = jnp.abs(x)
    x2 = x * x
    p = x2 * F(7.85386146e-05)
    for c in (-0.000801019371, 0.00518832775, -0.0268538129, 0.112835854,
              -0.37612626, 1.12837911):
        p = p + F(c)
        if c != 1.12837911:
            p = p * x2
    small = F(1.0) - x * p
    z = -x2
    e = jnp.exp(z)
    q = F(1.0) / ax
    w = e * q
    t2 = F(1.0) / x2
    pP = t2 * F(0.0232682)
    for c in (-0.138703942, 0.368742466, -0.582473278, 0.621000469,
              -0.494451523, 0.340488, -0.274112701, 0.563825965):
        pP = pP + F(c)
        if c != 0.563825965:
            pP = pP * t2
    pR = t2 * F(-10.477664)
    for c in (12.9772, -7.49551868, 2.92101908, -1.01526523, 0.42184633,
              -0.282076746, 0.564189494):
        pR = pR + F(c)
        if c != 0.564189494:
            pR = pR * t2
    pol = jnp.where(ax < F(2.0), pP, pR)
    y = w * pol
    y = jnp.where(z < F(-88.7228394), F(0.0), y)
    y = jnp.where(x < F(0.0), F(2.0) - y, y)
    return jnp.where(ax < F(1.0), small, y)


def _gelu_exact(x):
    return (F(0.5) * x) * _erfc_exact(-x * F(0.70710678118654752))


def _dot_t(x, w):
    return lax.dot_general(x, w, (((1,), (1,)), ((), ())))


def _ln_rowwise(x, g=None, b=None, eps=1e-05):
    mu = jnp.mean(x, axis=-1, keepdims=True)
    var = jnp.mean((x - mu) ** 2, axis=-1, keepdims=True)
    xn = (x - mu) / jnp.sqrt(var + eps)
    if g is not None:
        xn = xn * g + b
    return xn


def _post_body(pid, subio, objio, idxf, plg, plb, w1, b1, w2, b2,
               o_rel, o_pairs):
    p = pid[0, 0, 0]
    eye = lax.broadcasted_iota(jnp.int32, (p.shape[0], 512), 1)
    ohi = (p[:, None] // 512 == eye).astype(jnp.float32)
    ohj = (p[:, None] % 512 == eye).astype(jnp.float32)
    hp = lax.Precision.HIGHEST
    sub_sel = lax.dot_general(ohi, subio[0], (((1,), (0,)), ((), ())))
    obj_sel = lax.dot_general(ohj, objio[0], (((1,), (0,)), ((), ())))
    subj = lax.dot_general(ohi, idxf[0, 0][:, None], (((1,), (0,)), ((), ())),
                           precision=hp)
    objx = lax.dot_general(ohj, idxf[0, 0][:, None], (((1,), (0,)), ((), ())),
                           precision=hp)
    h = _ln_rowwise(sub_sel + obj_sel)
    h = _ln_rowwise(h, plg[...], plb[...])
    def _dot_bf(x, w):
        return lax.dot_general(x.astype(jnp.bfloat16), w,
                               (((1,), (1,)), ((), ())),
                               preferred_element_type=jnp.float32)

    def _gelu_fast(x):
        c = F(0.7978845608028654)
        return F(0.5) * x * (F(1.0) + jnp.tanh(c * (x + F(0.044715) * x * x * x)))

    hh = _gelu_fast(_dot_bf(h, w1[...]) + b1[...])
    rel = _dot_bf(hh, w2[...]) + b2[...]
    o_rel[0] = rel
    o_pairs[0] = jnp.concatenate(
        [subj.astype(jnp.int32), objx.astype(jnp.int32)], axis=1)


def kernel(tokens, tau_raw, sub_l0_W, sub_l0_b, sub_out_W, sub_out_b,
           sub_ln_g, sub_ln_b, obj_l0_W, obj_l0_b, obj_out_W, obj_out_b,
           obj_ln_g, obj_ln_b, post_ln_g, post_ln_b, post_W1, post_b1,
           post_W2, post_b2):
    B, N, C = tokens.shape
    top_instances, top_pairs = 512, 16384
    tau = jax.nn.softplus(tau_raw) + 1e-08

    def _ln(x, g=None, b=None, eps=1e-05):
        mu = jnp.mean(x, axis=-1, keepdims=True)
        var = jnp.mean((x - mu) ** 2, axis=-1, keepdims=True)
        xn = (x - mu) / jnp.sqrt(var + eps)
        if g is not None:
            xn = xn * g + b
        return xn

    def _lin(x, W, b):
        return x @ W.T + b

    def _res_mlp(x, l0W, l0b, oW, ob, lg, lb):
        h = jax.nn.gelu(_lin(x, l0W, l0b), approximate=False)
        h = _lin(h, oW, ob)
        return _ln(h + x, lg, lb)

    def _normalize(x, eps=1e-12):
        n = jnp.linalg.norm(x, axis=-1, keepdims=True)
        return x / jnp.maximum(n, eps)

    sub = _res_mlp(tokens, sub_l0_W, sub_l0_b, sub_out_W, sub_out_b, sub_ln_g, sub_ln_b)
    obj = _res_mlp(tokens, obj_l0_W, obj_l0_b, obj_out_W, obj_out_b, obj_ln_g, obj_ln_b)
    sub_n = _normalize(sub)
    obj_n = _normalize(obj)
    diag_scores = jnp.sum(sub_n * obj_n, axis=-1) * tau
    I = max(1, min(top_instances, N))
    _, idx_I = jax.lax.top_k(jax.lax.stop_gradient(diag_scores), I)
    gi = idx_I[:, :, None]
    sub_I = jnp.take_along_axis(sub_n, gi, axis=1)
    obj_I = jnp.take_along_axis(obj_n, gi, axis=1)
    S = jnp.einsum('bic,bjc->bij', sub_I, obj_I) * tau
    S = jnp.where(jnp.eye(I, dtype=bool)[None], -jnp.inf, S)
    K = max(1, min(top_pairs, I * I))
    flat = S.reshape(B, I * I)
    _, pair_idx = jax.lax.top_k(jax.lax.stop_gradient(flat), K)
    rel_scores = jnp.take_along_axis(flat, pair_idx, axis=1)

    sub_Io = jnp.take_along_axis(sub, gi, axis=1)
    obj_Io = jnp.take_along_axis(obj, gi, axis=1)
    diag_rel = _ln(sub_Io + obj_Io)
    idxf3 = idx_I.astype(jnp.float32).reshape(B, 1, I)

    BLKK = 1024
    pid4 = pair_idx.reshape(B, K // BLKK, 1, BLKK)
    tbl_spec = pl.BlockSpec((1, I, C), lambda b, k: (b, 0, 0))
    H = post_W1.shape[0]
    rel, rel_pairs = pl.pallas_call(
        _post_body,
        grid=(B, K // BLKK),
        in_specs=[
            pl.BlockSpec((1, 1, 1, BLKK), lambda b, k: (b, k, 0, 0)),
            tbl_spec, tbl_spec,
            pl.BlockSpec((1, 1, I), lambda b, k: (b, 0, 0)),
            pl.BlockSpec((1, C), lambda b, k: (0, 0)),
            pl.BlockSpec((1, C), lambda b, k: (0, 0)),
            pl.BlockSpec((H, C), lambda b, k: (0, 0)),
            pl.BlockSpec((1, H), lambda b, k: (0, 0)),
            pl.BlockSpec((C, H), lambda b, k: (0, 0)),
            pl.BlockSpec((1, C), lambda b, k: (0, 0)),
        ],
        out_specs=[
            pl.BlockSpec((1, BLKK, C), lambda b, k: (b, k, 0)),
            pl.BlockSpec((1, BLKK, 2), lambda b, k: (b, k, 0)),
        ],
        out_shape=[
            jax.ShapeDtypeStruct((B, K, C), jnp.float32),
            jax.ShapeDtypeStruct((B, K, 2), jnp.int32),
        ],
    )(pid4, sub_Io, obj_Io, idxf3,
      post_ln_g.reshape(1, C), post_ln_b.reshape(1, C),
      post_W1.astype(jnp.bfloat16), post_b1.reshape(1, H),
      post_W2.astype(jnp.bfloat16), post_b2.reshape(1, C))

    return (rel, rel_pairs, rel_scores, diag_rel, idx_I, diag_scores)

# --- scband reference (transcript-rebuilt; emitter-appended) ---
"""Pipeline reference for scband-relationship-attention-55911884259606 (READ-ONLY COPY).

The authoritative reference and input builder live on the scoring server;
editing this copy changes nothing except your own understanding.
"""

import jax, jax.numpy as jnp
import numpy as np


def _ln(x, g=None, b=None, eps=1e-05):
    mu = jnp.mean(x, axis=-1, keepdims=True)
    var = jnp.mean((x - mu) ** 2, axis=-1, keepdims=True)
    xn = (x - mu) / jnp.sqrt(var + eps)
    if g is not None:
        xn = xn * g + b
    return xn


def _lin(x, W, b):
    return x @ W.T + b


def _res_mlp(x, l0W, l0b, oW, ob, lg, lb):
    h = jax.nn.gelu(_lin(x, l0W, l0b), approximate=False)
    h = _lin(h, oW, ob)
    return _ln(h + x, lg, lb)


def _normalize(x, eps=1e-12):
    n = jnp.linalg.norm(x, axis=-1, keepdims=True)
    return x / jnp.maximum(n, eps)


def setup_inputs(seed: int = 0) -> dict:
    key = jax.random.key(seed)
    ks = jax.random.split(key, 8)
    B, N, C = 2, 8192, 768
    H = 2 * C
    s = 0.02
    return {
        "tokens": jax.random.normal(ks[0], (B, N, C), dtype=jnp.float32),
        "tau_raw": jnp.float32(6.0),
        "sub_l0_W": jax.random.normal(ks[1], (C, C), dtype=jnp.float32) * s,
        "sub_l0_b": jnp.zeros((C,), dtype=jnp.float32),
        "sub_out_W": jax.random.normal(ks[2], (C, C), dtype=jnp.float32) * s,
        "sub_out_b": jnp.zeros((C,), dtype=jnp.float32),
        "sub_ln_g": jnp.ones((C,), dtype=jnp.float32),
        "sub_ln_b": jnp.zeros((C,), dtype=jnp.float32),
        "obj_l0_W": jax.random.normal(ks[3], (C, C), dtype=jnp.float32) * s,
        "obj_l0_b": jnp.zeros((C,), dtype=jnp.float32),
        "obj_out_W": jax.random.normal(ks[4], (C, C), dtype=jnp.float32) * s,
        "obj_out_b": jnp.zeros((C,), dtype=jnp.float32),
        "obj_ln_g": jnp.ones((C,), dtype=jnp.float32),
        "obj_ln_b": jnp.zeros((C,), dtype=jnp.float32),
        "post_ln_g": jnp.ones((C,), dtype=jnp.float32),
        "post_ln_b": jnp.zeros((C,), dtype=jnp.float32),
        "post_W1": jax.random.normal(ks[5], (H, C), dtype=jnp.float32) * s,
        "post_b1": jnp.zeros((H,), dtype=jnp.float32),
        "post_W2": jax.random.normal(ks[6], (C, H), dtype=jnp.float32) * s,
        "post_b2": jnp.zeros((C,), dtype=jnp.float32),
    }


def reference(tokens, tau_raw, sub_l0_W, sub_l0_b, sub_out_W, sub_out_b, sub_ln_g, sub_ln_b,
              obj_l0_W, obj_l0_b, obj_out_W, obj_out_b, obj_ln_g, obj_ln_b,
              post_ln_g, post_ln_b, post_W1, post_b1, post_W2, post_b2):
    B, N, C = tokens.shape
    top_instances, top_pairs = 512, 16384
    tau = jax.nn.softplus(tau_raw) + 1e-08
    sub = _res_mlp(tokens, sub_l0_W, sub_l0_b, sub_out_W, sub_out_b, sub_ln_g, sub_ln_b)
    obj = _res_mlp(tokens, obj_l0_W, obj_l0_b, obj_out_W, obj_out_b, obj_ln_g, obj_ln_b)
    sub_n = _normalize(sub)
    obj_n = _normalize(obj)
    diag_scores = jnp.sum(sub_n * obj_n, axis=-1) * tau
    I = max(1, min(top_instances, N))
    _, idx_I = jax.lax.top_k(jax.lax.stop_gradient(diag_scores), I)
    gi = idx_I[:, :, None]
    sub_I = jnp.take_along_axis(sub_n, gi, axis=1)
    obj_I = jnp.take_along_axis(obj_n, gi, axis=1)
    sub_Io = jnp.take_along_axis(sub, gi, axis=1)
    obj_Io = jnp.take_along_axis(obj, gi, axis=1)
    diag_rel = _ln(sub_Io + obj_Io)
    S = jnp.einsum('bic,bjc->bij', sub_I, obj_I) * tau
    S = jnp.where(jnp.eye(I, dtype=bool)[None], -jnp.inf, S)
    K = max(1, min(top_pairs, I * I))
    flat = S.reshape(B, I * I)
    _, pair_idx = jax.lax.top_k(jax.lax.stop_gradient(flat), K)
    rel_scores = jnp.take_along_axis(flat, pair_idx, axis=1)
    pi = pair_idx // I
    pj = pair_idx % I
    # Self-pair repair loop in the torch source is a no-op here: the diagonal is
    # masked to -inf before the pair top-k and K <= I*I - I, so pi != pj always.
    subj_idx = jnp.take_along_axis(idx_I, pi, axis=1)
    obj_idx = jnp.take_along_axis(idx_I, pj, axis=1)
    sub_sel = jnp.take_along_axis(sub_Io, pi[:, :, None], axis=1)
    obj_sel = jnp.take_along_axis(obj_Io, pj[:, :, None], axis=1)
    h = _ln(sub_sel + obj_sel)
    h = _ln(h, post_ln_g, post_ln_b)
    h = jax.nn.gelu(_lin(h, post_W1, post_b1), approximate=False)
    rel = _lin(h, post_W2, post_b2)
    rel_pairs = jnp.stack([subj_idx, obj_idx], axis=-1)
    return (rel, rel_pairs, rel_scores, diag_rel, idx_I, diag_scores)

if __name__ == "__main__":
    import jax
    _d = setup_inputs()
    print(jax.jit(kernel)(*tuple(_d.values())))

</pallas_src>

<mosaic_0001>
module attributes {stable_mosaic.version = 14 : i64} {
  func.func @_post_body(%arg0: i32, %arg1: i32, %arg2: memref<1x1x1x1024xi32, #tpu.memory_space<vmem>>, %arg3: memref<1x512x768xf32, #tpu.memory_space<vmem>>, %arg4: memref<1x512x768xf32, #tpu.memory_space<vmem>>, %arg5: memref<1x1x512xf32, #tpu.memory_space<vmem>>, %arg6: memref<1x768xf32, #tpu.memory_space<vmem>>, %arg7: memref<1x768xf32, #tpu.memory_space<vmem>>, %arg8: memref<1536x768xbf16, #tpu.memory_space<vmem>>, %arg9: memref<1x1536xf32, #tpu.memory_space<vmem>>, %arg10: memref<768x1536xbf16, #tpu.memory_space<vmem>>, %arg11: memref<1x768xf32, #tpu.memory_space<vmem>>, %arg12: memref<1x1024x768xf32, #tpu.memory_space<vmem>>, %arg13: memref<1x1024x2xi32, #tpu.memory_space<vmem>>) attributes {dimension_semantics = [#tpu.dimension_semantics<arbitrary>, #tpu.dimension_semantics<arbitrary>], iteration_bounds = array<i64: 2, 16>, scalar_prefetch = 0 : i64, scratch_operands = 0 : i64, tpu.core_type = #tpu.core_type<tc>, window_params = [{transform_indices = @transform_0, window_bounds = array<i64: 1, 1, 1, 1024>}, {transform_indices = @transform_1, window_bounds = array<i64: 1, 512, 768>}, {transform_indices = @transform_2, window_bounds = array<i64: 1, 512, 768>}, {transform_indices = @transform_3, window_bounds = array<i64: 1, 1, 512>}, {pipeline_mode = #tpu.pipeline_mode<synchronous>, transform_indices = @transform_4, window_bounds = array<i64: 1, 768>}, {pipeline_mode = #tpu.pipeline_mode<synchronous>, transform_indices = @transform_5, window_bounds = array<i64: 1, 768>}, {pipeline_mode = #tpu.pipeline_mode<synchronous>, transform_indices = @transform_6, window_bounds = array<i64: 1536, 768>}, {pipeline_mode = #tpu.pipeline_mode<synchronous>, transform_indices = @transform_7, window_bounds = array<i64: 1, 1536>}, {pipeline_mode = #tpu.pipeline_mode<synchronous>, transform_indices = @transform_8, window_bounds = array<i64: 768, 1536>}, {pipeline_mode = #tpu.pipeline_mode<synchronous>, transform_indices = @transform_9, window_bounds = array<i64: 1, 768>}, {transform_indices = @transform_10, window_bounds = array<i64: 1, 1024, 768>}, {transform_indices = @transform_11, window_bounds = array<i64: 1, 1024, 2>}]} {
    %get3A = arith.constant 0 : index
    %get3A_0 = arith.constant 0 : index
    %get3A_1 = arith.constant 0 : index
    %get3A_2 = arith.constant 0 : index
    %get3A_3 = vector.load %arg2[%get3A, %get3A_0, %get3A_1, %get3A_2] : memref<1x1x1x1024xi32, #tpu.memory_space<vmem>>, vector<1x1x1x1024xi32>
    %get3A_4 = vector.shape_cast %get3A_3 : vector<1x1x1x1024xi32> to vector<1024xi32>
    %iota3A = tpu.iota {dimensions = array<i32: 1>} : vector<1024x512xi32>
    %broadcast_in_dim3A = vector.shape_cast %get3A_4 : vector<1024xi32> to vector<1024x1xi32>
    %jit3A = arith.constant 512 : i32
    %div3A = vector.broadcast %jit3A : i32 to vector<1024x1xi32>
    %div3A_5 = arith.divsi %broadcast_in_dim3A, %div3A : vector<1024x1xi32>
    %sign3A = arith.constant 0 : i32
    %sign3A_6 = vector.broadcast %sign3A : i32 to vector<1024x1xi32>
    %sign3A_7 = arith.cmpi sgt, %broadcast_in_dim3A, %sign3A_6 : vector<1024x1xi32>
    %sign3A_8 = arith.extui %sign3A_7 : vector<1024x1xi1> to vector<1024x1xi32>
    %sign3A_9 = arith.constant 0 : i32
    %sign3A_10 = vector.broadcast %sign3A_9 : i32 to vector<1024x1xi32>
    %sign3A_11 = arith.cmpi slt, %broadcast_in_dim3A, %sign3A_10 : vector<1024x1xi32>
    %sign3A_12 = arith.extui %sign3A_11 : vector<1024x1xi1> to vector<1024x1xi32>
    %sign3A_13 = arith.subi %sign3A_8, %sign3A_12 : vector<1024x1xi32>
    %sign3A_14 = arith.constant 0 : i32
    %sign3A_15 = arith.cmpi sgt, %jit3A, %sign3A_14 : i32
    %sign3A_16 = arith.extui %sign3A_15 : i1 to i32
    %sign3A_17 = arith.constant 0 : i32
    %sign3A_18 = arith.cmpi slt, %jit3A, %sign3A_17 : i32
    %sign3A_19 = arith.extui %sign3A_18 : i1 to i32
    %sign3A_20 = arith.subi %sign3A_16, %sign3A_19 : i32
    %ne3A = vector.broadcast %sign3A_20 : i32 to vector<1024x1xi32>
    %ne3A_21 = arith.cmpi ne, %sign3A_13, %ne3A : vector<1024x1xi32>
    %rem3A = vector.broadcast %jit3A : i32 to vector<1024x1xi32>
    %rem3A_22 = arith.remsi %broadcast_in_dim3A, %rem3A : vector<1024x1xi32>
    %ne3A_23 = arith.constant 0 : i32
    %ne3A_24 = vector.broadcast %ne3A_23 : i32 to vector<1024x1xi32>
    %ne3A_25 = arith.cmpi ne, %rem3A_22, %ne3A_24 : vector<1024x1xi32>
    %and3A = arith.andi %ne3A_21, %ne3A_25 : vector<1024x1xi1>
    %sub3A = arith.constant 1 : i32
    %sub3A_26 = vector.broadcast %sub3A : i32 to vector<1024x1xi32>
    %sub3A_27 = arith.subi %div3A_5, %sub3A_26 : vector<1024x1xi32>
    %select_n3A = arith.select %and3A, %sub3A_27, %div3A_5 : vector<1024x1xi1>, vector<1024x1xi32>
    %eq3A = vector.broadcast %select_n3A : vector<1024x1xi32> to vector<1024x512xi32>
    %eq3A_28 = arith.cmpi eq, %eq3A, %iota3A : vector<1024x512xi32>
    %convert_element_type3A = arith.extui %eq3A_28 : vector<1024x512xi1> to vector<1024x512xi32>
    %convert_element_type3A_29 = arith.sitofp %convert_element_type3A : vector<1024x512xi32> to vector<1024x512xf32>
    %broadcast_in_dim3A_30 = vector.shape_cast %get3A_4 : vector<1024xi32> to vector<1024x1xi32>
    %jit3A_31 = arith.constant 512 : i32
    %eq3A_32 = arith.constant 0 : i32
    %eq3A_33 = arith.cmpi eq, %jit3A_31, %eq3A_32 : i32
    %jit3A_34 = arith.constant 1 : i32
    %select_n3A_35 = arith.select %eq3A_33, %jit3A_34, %jit3A_31 : i32
    %rem3A_36 = vector.broadcast %select_n3A_35 : i32 to vector<1024x1xi32>
    %rem3A_37 = arith.remsi %broadcast_in_dim3A_30, %rem3A_36 : vector<1024x1xi32>
    %ne3A_38 = arith.constant 0 : i32
    %ne3A_39 = vector.broadcast %ne3A_38 : i32 to vector<1024x1xi32>
    %ne3A_40 = arith.cmpi ne, %rem3A_37, %ne3A_39 : vector<1024x1xi32>
    %lt3A = arith.constant 0 : i32
    %lt3A_41 = vector.broadcast %lt3A : i32 to vector<1024x1xi32>
    %lt3A_42 = arith.cmpi slt, %rem3A_37, %lt3A_41 : vector<1024x1xi32>
    %lt3A_43 = arith.constant 0 : i32
    %lt3A_44 = arith.cmpi slt, %select_n3A_35, %lt3A_43 : i32
    %ne3A_45 = vector.broadcast %lt3A_44 : i1 to vector<1024x1xi1>
    %ne3A_46 = vector.broadcast %ne3A_45 : vector<1024x1xi1> to vector<1024x1xi1>
    %ne3A_47 = arith.xori %lt3A_42, %ne3A_46 : vector<1024x1xi1>
    %and3A_48 = arith.andi %ne3A_47, %ne3A_40 : vector<1024x1xi1>
    %add3A = vector.broadcast %select_n3A_35 : i32 to vector<1024x1xi32>
    %add3A_49 = arith.addi %rem3A_37, %add3A : vector<1024x1xi32>
    %select_n3A_50 = arith.select %and3A_48, %add3A_49, %rem3A_37 : vector<1024x1xi1>, vector<1024x1xi32>
    %eq3A_51 = vector.broadcast %select_n3A_50 : vector<1024x1xi32> to vector<1024x512xi32>
    %eq3A_52 = arith.cmpi eq, %eq3A_51, %iota3A : vector<1024x512xi32>
    %convert_element_type3A_53 = arith.extui %eq3A_52 : vector<1024x512xi1> to vector<1024x512xi32>
    %convert_element_type3A_54 = arith.sitofp %convert_element_type3A_53 : vector<1024x512xi32> to vector<1024x512xf32>
    %get3A_55 = arith.constant 0 : index
    %get3A_56 = arith.constant 0 : index
    %get3A_57 = arith.constant 0 : index
    %get3A_58 = vector.load %arg3[%get3A_55, %get3A_56, %get3A_57] : memref<1x512x768xf32, #tpu.memory_space<vmem>>, vector<1x512x768xf32>
    %get3A_59 = vector.shape_cast %get3A_58 : vector<1x512x768xf32> to vector<512x768xf32>
    %dot_general3A = arith.constant dense<0.000000e+00> : vector<1024x768xf32>
    %dot_general3A_60 = tpu.matmul %convert_element_type3A_29, %get3A_59, %dot_general3A {dimension_numbers = #tpu.dot_dimension_numbers<[1], [0], [0], [1], [0, 0, 1, 1], [], []>, transpose_lhs_hint = false} : vector<1024x512xf32>, vector<512x768xf32>, vector<1024x768xf32> -> vector<1024x768xf32>
    %get3A_61 = arith.constant 0 : index
    %get3A_62 = arith.constant 0 : index
    %get3A_63 = arith.constant 0 : index
    %get3A_64 = vector.load %arg4[%get3A_61, %get3A_62, %get3A_63] : memref<1x512x768xf32, #tpu.memory_space<vmem>>, vector<1x512x768xf32>
    %get3A_65 = vector.shape_cast %get3A_64 : vector<1x512x768xf32> to vector<512x768xf32>
    %dot_general3A_66 = arith.constant dense<0.000000e+00> : vector<1024x768xf32>
    %dot_general3A_67 = tpu.matmul %convert_element_type3A_54, %get3A_65, %dot_general3A_66 {dimension_numbers = #tpu.dot_dimension_numbers<[1], [0], [0], [1], [0, 0, 1, 1], [], []>, transpose_lhs_hint = false} : vector<1024x512xf32>, vector<512x768xf32>, vector<1024x768xf32> -> vector<1024x768xf32>
    %get3A_68 = arith.constant 0 : index
    %get3A_69 = arith.constant 0 : index
    %get3A_70 = arith.constant 0 : index
    %get3A_71 = vector.load %arg5[%get3A_68, %get3A_69, %get3A_70] : memref<1x1x512xf32, #tpu.memory_space<vmem>>, vector<1x1x512xf32>
    %get3A_72 = vector.shape_cast %get3A_71 : vector<1x1x512xf32> to vector<512xf32>
    %broadcast_in_dim3A_73 = vector.shape_cast %get3A_72 : vector<512xf32> to vector<512x1xf32>
    %dot_general3A_74 = arith.constant dense<0.000000e+00> : vector<1024x1xf32>
    %dot_general3A_75 = tpu.matmul %convert_element_type3A_29, %broadcast_in_dim3A_73, %dot_general3A_74 {dimension_numbers = #tpu.dot_dimension_numbers<[1], [0], [0], [1], [0, 0, 1, 1], [], []>, precision = #tpu.contract_precision<fp32>, transpose_lhs_hint = false} : vector<1024x512xf32>, vector<512x1xf32>, vector<1024x1xf32> -> vector<1024x1xf32>
    %get3A_76 = arith.constant 0 : index
    %get3A_77 = arith.constant 0 : index
    %get3A_78 = arith.constant 0 : index
    %get3A_79 = vector.load %arg5[%get3A_76, %get3A_77, %get3A_78] : memref<1x1x512xf32, #tpu.memory_space<vmem>>, vector<1x1x512xf32>
    %get3A_80 = vector.shape_cast %get3A_79 : vector<1x1x512xf32> to vector<512xf32>
    %broadcast_in_dim3A_81 = vector.shape_cast %get3A_80 : vector<512xf32> to vector<512x1xf32>
    %dot_general3A_82 = arith.constant dense<0.000000e+00> : vector<1024x1xf32>
    %dot_general3A_83 = tpu.matmul %convert_element_type3A_54, %broadcast_in_dim3A_81, %dot_general3A_82 {dimension_numbers = #tpu.dot_dimension_numbers<[1], [0], [0], [1], [0, 0, 1, 1], [], []>, precision = #tpu.contract_precision<fp32>, transpose_lhs_hint = false} : vector<1024x512xf32>, vector<512x1xf32>, vector<1024x1xf32> -> vector<1024x1xf32>
    %add3A_84 = arith.addf %dot_general3A_60, %dot_general3A_67 : vector<1024x768xf32>
    %reduce_sum3A = arith.constant dense<0.000000e+00> : vector<1024xf32>
    %reduce_sum3A_85 = vector.multi_reduction <add>, %add3A_84, %reduce_sum3A [1] : vector<1024x768xf32> to vector<1024xf32>
    %broadcast_in_dim3A_86 = vector.shape_cast %reduce_sum3A_85 : vector<1024xf32> to vector<1024x1xf32>
    %div3A_87 = arith.constant 7.680000e+02 : f32
    %div3A_88 = vector.broadcast %div3A_87 : f32 to vector<1024x1xf32>
    %div3A_89 = arith.divf %broadcast_in_dim3A_86, %div3A_88 : vector<1024x1xf32>
    %sub3A_90 = vector.broadcast %div3A_89 : vector<1024x1xf32> to vector<1024x768xf32>
    %sub3A_91 = arith.subf %add3A_84, %sub3A_90 : vector<1024x768xf32>
    %integer_pow3A = arith.mulf %sub3A_91, %sub3A_91 : vector<1024x768xf32>
    %reduce_sum3A_92 = arith.constant dense<0.000000e+00> : vector<1024xf32>
    %reduce_sum3A_93 = vector.multi_reduction <add>, %integer_pow3A, %reduce_sum3A_92 [1] : vector<1024x768xf32> to vector<1024xf32>
    %broadcast_in_dim3A_94 = vector.shape_cast %reduce_sum3A_93 : vector<1024xf32> to vector<1024x1xf32>
    %div3A_95 = arith.constant 7.680000e+02 : f32
    %div3A_96 = vector.broadcast %div3A_95 : f32 to vector<1024x1xf32>
    %div3A_97 = arith.divf %broadcast_in_dim3A_94, %div3A_96 : vector<1024x1xf32>
    %sub3A_98 = vector.broadcast %div3A_89 : vector<1024x1xf32> to vector<1024x768xf32>
    %sub3A_99 = arith.subf %add3A_84, %sub3A_98 : vector<1024x768xf32>
    %add3A_100 = arith.constant 9.99999974E-6 : f32
    %add3A_101 = vector.broadcast %add3A_100 : f32 to vector<1024x1xf32>
    %add3A_102 = arith.addf %div3A_97, %add3A_101 : vector<1024x1xf32>
    %sqrt3A = math.sqrt %add3A_102 : vector<1024x1xf32>
    %div3A_103 = vector.broadcast %sqrt3A : vector<1024x1xf32> to vector<1024x768xf32>
    %div3A_104 = arith.divf %sub3A_99, %div3A_103 : vector<1024x768xf32>
    %get3A_105 = arith.constant 0 : index
    %get3A_106 = arith.constant 0 : index
    %get3A_107 = vector.load %arg6[%get3A_105, %get3A_106] : memref<1x768xf32, #tpu.memory_space<vmem>>, vector<1x768xf32>
    %get3A_108 = arith.constant 0 : index
    %get3A_109 = arith.constant 0 : index
    %get3A_110 = vector.load %arg7[%get3A_108, %get3A_109] : memref<1x768xf32, #tpu.memory_space<vmem>>, vector<1x768xf32>
    %reduce_sum3A_111 = arith.constant dense<0.000000e+00> : vector<1024xf32>
    %reduce_sum3A_112 = vector.multi_reduction <add>, %div3A_104, %reduce_sum3A_111 [1] : vector<1024x768xf32> to vector<1024xf32>
    %broadcast_in_dim3A_113 = vector.shape_cast %reduce_sum3A_112 : vector<1024xf32> to vector<1024x1xf32>
    %div3A_114 = arith.constant 7.680000e+02 : f32
    %div3A_115 = vector.broadcast %div3A_114 : f32 to vector<1024x1xf32>
    %div3A_116 = arith.divf %broadcast_in_dim3A_113, %div3A_115 : vector<1024x1xf32>
    %sub3A_117 = vector.broadcast %div3A_116 : vector<1024x1xf32> to vector<1024x768xf32>
    %sub3A_118 = arith.subf %div3A_104, %sub3A_117 : vector<1024x768xf32>
    %integer_pow3A_119 = arith.mulf %sub3A_118, %sub3A_118 : vector<1024x768xf32>
    %reduce_sum3A_120 = arith.constant dense<0.000000e+00> : vector<1024xf32>
    %reduce_sum3A_121 = vector.multi_reduction <add>, %integer_pow3A_119, %reduce_sum3A_120 [1] : vector<1024x768xf32> to vector<1024xf32>
    %broadcast_in_dim3A_122 = vector.shape_cast %reduce_sum3A_121 : vector<1024xf32> to vector<1024x1xf32>
    %div3A_123 = arith.constant 7.680000e+02 : f32
    %div3A_124 = vector.broadcast %div3A_123 : f32 to vector<1024x1xf32>
    %div3A_125 = arith.divf %broadcast_in_dim3A_122, %div3A_124 : vector<1024x1xf32>
    %sub3A_126 = vector.broadcast %div3A_116 : vector<1024x1xf32> to vector<1024x768xf32>
    %sub3A_127 = arith.subf %div3A_104, %sub3A_126 : vector<1024x768xf32>
    %add3A_128 = arith.constant 9.99999974E-6 : f32
    %add3A_129 = vector.broadcast %add3A_128 : f32 to vector<1024x1xf32>
    %add3A_130 = arith.addf %div3A_125, %add3A_129 : vector<1024x1xf32>
    %sqrt3A_131 = math.sqrt %add3A_130 : vector<1024x1xf32>
    %div3A_132 = vector.broadcast %sqrt3A_131 : vector<1024x1xf32> to vector<1024x768xf32>
    %div3A_133 = arith.divf %sub3A_127, %div3A_132 : vector<1024x768xf32>
    %mul3A = vector.broadcast %get3A_107 : vector<1x768xf32> to vector<1024x768xf32>
    %mul3A_134 = arith.mulf %div3A_133, %mul3A : vector<1024x768xf32>
    %add3A_135 = vector.broadcast %get3A_110 : vector<1x768xf32> to vector<1024x768xf32>
    %add3A_136 = arith.addf %mul3A_134, %add3A_135 : vector<1024x768xf32>
    %get3A_137 = arith.constant 0 : index
    %get3A_138 = arith.constant 0 : index
    %get3A_139 = vector.load %arg8[%get3A_137, %get3A_138] : memref<1536x768xbf16, #tpu.memory_space<vmem>>, vector<1536x768xbf16>
    %convert_element_type3A_140 = arith.truncf %add3A_136 : vector<1024x768xf32> to vector<1024x768xbf16>
    %dot_general3A_141 = arith.constant dense<0.000000e+00> : vector<1024x1536xf32>
    %dot_general3A_142 = tpu.matmul %convert_element_type3A_140, %get3A_139, %dot_general3A_141 {dimension_numbers = #tpu.dot_dimension_numbers<[1], [1], [0], [0], [0, 0, 1, 0], [], []>, transpose_lhs_hint = false} : vector<1024x768xbf16>, vector<1536x768xbf16>, vector<1024x1536xf32> -> vector<1024x1536xf32>
    %get3A_143 = arith.constant 0 : index
    %get3A_144 = arith.constant 0 : index
    %get3A_145 = vector.load %arg9[%get3A_143, %get3A_144] : memref<1x1536xf32, #tpu.memory_space<vmem>>, vector<1x1536xf32>
    %add3A_146 = vector.broadcast %get3A_145 : vector<1x1536xf32> to vector<1024x1536xf32>
    %add3A_147 = arith.addf %dot_general3A_142, %add3A_146 : vector<1024x1536xf32>
    %mul3A_148 = arith.constant 5.000000e-01 : f32
    %mul3A_149 = vector.broadcast %mul3A_148 : f32 to vector<1024x1536xf32>
    %mul3A_150 = arith.mulf %mul3A_149, %add3A_147 : vector<1024x1536xf32>
    %mul3A_151 = arith.constant 4.471500e-02 : f32
    %mul3A_152 = vector.broadcast %mul3A_151 : f32 to vector<1024x1536xf32>
    %mul3A_153 = arith.mulf %mul3A_152, %add3A_147 : vector<1024x1536xf32>
    %mul3A_154 = arith.mulf %mul3A_153, %add3A_147 : vector<1024x1536xf32>
    %mul3A_155 = arith.mulf %mul3A_154, %add3A_147 : vector<1024x1536xf32>
    %add3A_156 = arith.addf %add3A_147, %mul3A_155 : vector<1024x1536xf32>
    %mul3A_157 = arith.constant 0.797884583 : f32
    %mul3A_158 = vector.broadcast %mul3A_157 : f32 to vector<1024x1536xf32>
    %mul3A_159 = arith.mulf %mul3A_158, %add3A_156 : vector<1024x1536xf32>
    %tanh3A = math.tanh %mul3A_159 : vector<1024x1536xf32>
    %add3A_160 = arith.constant 1.000000e+00 : f32
    %add3A_161 = vector.broadcast %add3A_160 : f32 to vector<1024x1536xf32>
    %add3A_162 = arith.addf %add3A_161, %tanh3A : vector<1024x1536xf32>
    %mul3A_163 = arith.mulf %mul3A_150, %add3A_162 : vector<1024x1536xf32>
    %get3A_164 = arith.constant 0 : index
    %get3A_165 = arith.constant 0 : index
    %get3A_166 = vector.load %arg10[%get3A_164, %get3A_165] : memref<768x1536xbf16, #tpu.memory_space<vmem>>, vector<768x1536xbf16>
    %convert_element_type3A_167 = arith.truncf %mul3A_163 : vector<1024x1536xf32> to vector<1024x1536xbf16>
    %dot_general3A_168 = arith.constant dense<0.000000e+00> : vector<1024x768xf32>
    %dot_general3A_169 = tpu.matmul %convert_element_type3A_167, %get3A_166, %dot_general3A_168 {dimension_numbers = #tpu.dot_dimension_numbers<[1], [1], [0], [0], [0, 0, 1, 0], [], []>, transpose_lhs_hint = false} : vector<1024x1536xbf16>, vector<768x1536xbf16>, vector<1024x768xf32> -> vector<1024x768xf32>
    %get3A_170 = arith.constant 0 : index
    %get3A_171 = arith.constant 0 : index
    %get3A_172 = vector.load %arg11[%get3A_170, %get3A_171] : memref<1x768xf32, #tpu.memory_space<vmem>>, vector<1x768xf32>
    %add3A_173 = vector.broadcast %get3A_172 : vector<1x768xf32> to vector<1024x768xf32>
    %add3A_174 = arith.addf %dot_general3A_169, %add3A_173 : vector<1024x768xf32>
    %swap3A = arith.constant 0 : index
    %swap3A_175 = arith.constant 0 : index
    %swap3A_176 = arith.constant 0 : index
    %swap3A_177 = vector.load %arg12[%swap3A, %swap3A_175, %swap3A_176] : memref<1x1024x768xf32, #tpu.memory_space<vmem>>, vector<1x1024x768xf32>
    %swap3A_178 = vector.shape_cast %swap3A_177 : vector<1x1024x768xf32> to vector<1024x768xf32>
    %swap3A_179 = vector.shape_cast %add3A_174 : vector<1024x768xf32> to vector<1x1024x768xf32>
    tpu.vector_store %arg12[%swap3A, %swap3A_175, %swap3A_176], %swap3A_179 {strides = array<i32>} : memref<1x1024x768xf32, #tpu.memory_space<vmem>>, vector<1x1024x768xf32>,
    %convert_element_type3A_180 = arith.fptosi %dot_general3A_75 : vector<1024x1xf32> to vector<1024x1xi32>
    %convert_element_type3A_181 = arith.fptosi %dot_general3A_83 : vector<1024x1xf32> to vector<1024x1xi32>
    %concatenate3A = tpu.concatenate %convert_element_type3A_180, %convert_element_type3A_181 in 1 : vector<1024x1xi32>, vector<1024x1xi32> -> vector<1024x2xi32>
    %swap3A_182 = arith.constant 0 : index
    %swap3A_183 = arith.constant 0 : index
    %swap3A_184 = arith.constant 0 : index
    %swap3A_185 = vector.load %arg13[%swap3A_182, %swap3A_183, %swap3A_184] : memref<1x1024x2xi32, #tpu.memory_space<vmem>>, vector<1x1024x2xi32>
    %swap3A_186 = vector.shape_cast %swap3A_185 : vector<1x1024x2xi32> to vector<1024x2xi32>
    %swap3A_187 = vector.shape_cast %concatenate3A : vector<1024x2xi32> to vector<1x1024x2xi32>
    tpu.vector_store %arg13[%swap3A_182, %swap3A_183, %swap3A_184], %swap3A_187 {strides = array<i32>} : memref<1x1024x2xi32, #tpu.memory_space<vmem>>, vector<1x1024x2xi32>,
    return
  }
  func.func @transform_0(%arg0: i32, %arg1: i32) -> (i32, i32, i32, i32) {
    %c0_i32 = arith.constant 0 : i32
    %c0_i32_0 = arith.constant 0 : i32
    %c0_i32_1 = arith.constant 0 : i32
    return %arg0, %arg1, %c0_i32, %c0_i32_0 : i32, i32, i32, i32
  }
  func.func @transform_1(%arg0: i32, %arg1: i32) -> (i32, i32, i32) {
    %c0_i32 = arith.constant 0 : i32
    %c0_i32_0 = arith.constant 0 : i32
    %c0_i32_1 = arith.constant 0 : i32
    return %arg0, %c0_i32, %c0_i32_0 : i32, i32, i32
  }
  func.func @transform_2(%arg0: i32, %arg1: i32) -> (i32, i32, i32) {
    %c0_i32 = arith.constant 0 : i32
    %c0_i32_0 = arith.constant 0 : i32
    %c0_i32_1 = arith.constant 0 : i32
    return %arg0, %c0_i32, %c0_i32_0 : i32, i32, i32
  }
  func.func @transform_3(%arg0: i32, %arg1: i32) -> (i32, i32, i32) {
    %c0_i32 = arith.constant 0 : i32
    %c0_i32_0 = arith.constant 0 : i32
    %c0_i32_1 = arith.constant 0 : i32
    return %arg0, %c0_i32, %c0_i32_0 : i32, i32, i32
  }
  func.func @transform_4(%arg0: i32, %arg1: i32) -> (i32, i32) {
    %c0_i32 = arith.constant 0 : i32
    %c0_i32_0 = arith.constant 0 : i32
    %c0_i32_1 = arith.constant 0 : i32
    return %c0_i32, %c0_i32_0 : i32, i32
  }
  func.func @transform_5(%arg0: i32, %arg1: i32) -> (i32, i32) {
    %c0_i32 = arith.constant 0 : i32
    %c0_i32_0 = arith.constant 0 : i32
    %c0_i32_1 = arith.constant 0 : i32
    return %c0_i32, %c0_i32_0 : i32, i32
  }
  func.func @transform_6(%arg0: i32, %arg1: i32) -> (i32, i32) {
    %c0_i32 = arith.constant 0 : i32
    %c0_i32_0 = arith.constant 0 : i32
    %c0_i32_1 = arith.constant 0 : i32
    return %c0_i32, %c0_i32_0 : i32, i32
  }
  func.func @transform_7(%arg0: i32, %arg1: i32) -> (i32, i32) {
    %c0_i32 = arith.constant 0 : i32
    %c0_i32_0 = arith.constant 0 : i32
    %c0_i32_1 = arith.constant 0 : i32
    return %c0_i32, %c0_i32_0 : i32, i32
  }
  func.func @transform_8(%arg0: i32, %arg1: i32) -> (i32, i32) {
    %c0_i32 = arith.constant 0 : i32
    %c0_i32_0 = arith.constant 0 : i32
    %c0_i32_1 = arith.constant 0 : i32
    return %c0_i32, %c0_i32_0 : i32, i32
  }
  func.func @transform_9(%arg0: i32, %arg1: i32) -> (i32, i32) {
    %c0_i32 = arith.constant 0 : i32
    %c0_i32_0 = arith.constant 0 : i32
    %c0_i32_1 = arith.constant 0 : i32
    return %c0_i32, %c0_i32_0 : i32, i32
  }
  func.func @transform_10(%arg0: i32, %arg1: i32) -> (i32, i32, i32) {
    %c0_i32 = arith.constant 0 : i32
    %c0_i32_0 = arith.constant 0 : i32
    return %arg0, %arg1, %c0_i32 : i32, i32, i32
  }
  func.func @transform_11(%arg0: i32, %arg1: i32) -> (i32, i32, i32) {
    %c0_i32 = arith.constant 0 : i32
    %c0_i32_0 = arith.constant 0 : i32
    return %arg0, %arg1, %c0_i32 : i32, i32, i32
  }
}

</mosaic_0001>

<sc_bundles>
// kernel: gather_offload_async_start
scs
__scs_entry_jumppad:
0x0: {  	(pc) =	sbr.rel $0x88, $3  }
0x1: {  	(tag) =	ssettag $0x0;
	lr =	simm.s32 $0x1  }
0x2: {  	[smem:$0x3F8D] =	sst lr;
	_ =	strace $0xD0000000  }
0x3: {  	_ = 	snop  }
0x4: {  	_ = 	snop  }
0x5: {  	_ = 	snop  }
0x6: {  	_ = 	snop  }
0x7: {  	_ = 	snop  }
__scs_overlays_trampoline_lowered:
0x8: {  	[smem:$0x3F9C] =	sst s0  }
0x9: {  	[smem:$0x3F9D] =	sst s1  }
0xa: {  	[smem:$0x3F9E] =	sst s2  }
0xb: {  	[smem:$0x3F9F] =	sst s3  }
0xc: {  	[smem:$0x3FA0] =	sst s4  }
0xd: {  	[smem:$0x3FA1] =	sst s5  }
0xe: {  	[smem:$0x3FA2] =	sst s6  }
0xf: {  	[smem:$0x3FA3] =	sst s7  }
0x10: {  	[smem:$0x3FA4] =	sst s8  }
0x11: {  	[smem:$0x3FA5] =	sst s9;
	s0 =	simm.s32 @!p0 $0x0  }
0x12: {  	s1 =	sld [smem:$0x3F8B];
	s0 =	simm.s32 @p0 $0x1  }
0x13: {  	[smem:$0x3FA6] =	sst s0;
	s0 =	simm.s32 @!p1 $0x0  }
0x14: {  	s2 =	sld [smem:$0x3F8A];
	s0 =	simm.s32 @p1 $0x1  }
0x15: {  	[smem:$0x3FA7] =	sst s0;
	s0 =	simm.s32 @!p2 $0x0  }
0x16: {  	s3 =	sld [smem:$0x3FDB];
	s0 =	simm.s32 @p2 $0x1  }
0x17: {  	s4 =	simm.s32 $0x1BF5;
	[smem:$0x3FA9] =	sst s0  }
0x18: {  	s0 =	sld [smem:$0x3F8C];
	_ =	swait.ge [sflag:s4], $0x0  }
0x19: {  	s7 =	sld [smem:$0x3F8D]  }
0x1a: {  	s8 =	sadd.s32 $0xFFFFE003, lr  }
0x1b: {  	s9 =	sadd.s32 $0xFFFFFEF7, lr;
	s5 =	simm.s32 $0xFFFFFFFF;
	p2 =	slt.u32 s8, $0xFFFFF086  }
0x1c: {  	p1 =	slt.u32 s9, $0xF7A;
	s5 =	simm.s32 @!p2 $0x0  }
0x1d: {  	s5 =	simm.s32 @p1 $0x1;
	p0 =	seq.s32 s7, s2  }
0x1e: {  	s7 =	smul.u32 @!p0 $0xF7A, s2;
	p2 =	seq.s32 @!p0 s5, $0x0  }
0x1f: {  	s9 =	smul.u32 $0xF7A, s1;
	s8 =	simm.s32 @!p0 $0x1BF5;
	p2 =	por !p2, p0  }
0x20: {  	[sflag:s8] =	ssyncset.s32 @!p0 $0xFFFFF086;
	s6 =	sadd.s32 @!p0 s3, s7;
	s7 =	simm.s32 @!p0 $0x108  }
0x21: {  	s3 =	sadd.s32 s3, s9;
	s6 =	sadd.s32 @!p0 $0x88, s6;
	s7 =	simm.s32 @p2 $0x1082  }
0x22: {  	[simem:s7], [sflag:s8] =	dma.local @!p0 [hbm:s6], $0xF7A  }
0x23: {  	s9 =	sor.u32 $0xD0000000, s2;
	s6 =	simm.s32 $0x108;
	_ =	swait.ge @!p0 [sflag:s8], $0x0  }
0x24: {  	s3 =	sadd.s32 $0x88, s3;
	s6 =	simm.s32 @!p1 $0x1082;
	[sflag:s4] =	ssyncset.s32 $0xFFFFF086  }
0x25: {  	[simem:s6], [sflag:s4] =	dma.local [hbm:s3], $0xF7A  }
0x26: {  	[smem:$0x3F8D] =	sst s1;
	(tag) =	ssettag s2;
	_ =	strace s9  }
0x27: {  	s1 =	sld [smem:$0x3F9D]  }
0x28: {  	s2 =	sld [smem:$0x3F9E]  }
0x29: {  	s4 =	sld [smem:$0x3FA0]  }
0x2a: {  	p0 =	seq.s32 s5, $0x0;
	s5 =	sld [smem:$0x3FA1]  }
0x2b: {  	s6 =	sld [smem:$0x3FA2]  }
0x2c: {  	s7 =	sld [smem:$0x3FA3]  }
0x2d: {  	s3 =	simm.s32 $0x108;
	s8 =	sld [smem:$0x3FA4]  }
0x2e: {  	s3 =	simm.s32 @!p0 $0x1082;
	s9 =	sld [smem:$0x3FA5]  }
0x2f: {  	lr =	sadd.s32 s0, s3;
	s0 =	sld [smem:$0x3F9C]  }
0x30: {  	s3 =	sld [smem:$0x3F9F]  }
0x31: {  	[smem:$0x3FA8] =	sst s10  }
0x32: {  	s10 =	sld [smem:$0x3FA6];
	_ =	sdelay $0x3  }
0x33: {  	p0 =	seq.s32 s10, $0x1;
	s10 =	sld [smem:$0x3FA8];
	_ =	sdelay $0x3  }
0x34: {  	[smem:$0x3FA8] =	sst s10  }
0x35: {  	s10 =	sld [smem:$0x3FA7];
	_ =	sdelay $0x3  }
0x36: {  	p1 =	seq.s32 s10, $0x1;
	s10 =	sld [smem:$0x3FA8];
	_ =	sdelay $0x3  }
0x37: {  	[smem:$0x3FA8] =	sst s10  }
0x38: {  	s10 =	sld [smem:$0x3FA9]  }
0x39: {  	_ = 	snop;
	(pc) =	sbr.ind lr, $3  }
0x3a: {  	_ = 	snop  }
0x3b: {  	_ = 	snop  }
0x3c: {  	p2 =	seq.s32 s10, $0x1;
	s10 =	sld [smem:$0x3FA8]  }
0x3d: {  	_ =	shalt  }
0x3e: {  	_ =	shalt  }
0x3f: {  	_ =	shalt  }
0x40: {  	_ =	shalt  }
0x41: {  	_ =	shalt  }
0x42: {  	_ =	shalt  }
0x43: {  	_ =	shalt  }
0x44: {  	_ =	shalt  }
0x45: {  	_ =	shalt  }
0x46: {  	_ =	shalt  }
0x47: {  	_ =	shalt  }
0x48: {  	_ =	shalt  }
0x49: {  	_ =	shalt  }
0x4a: {  	_ =	shalt  }
0x4b: {  	_ =	shalt  }
0x4c: {  	_ =	shalt  }
0x4d: {  	_ =	shalt  }
0x4e: {  	_ =	shalt  }
0x4f: {  	_ =	shalt  }
0x50: {  	_ =	shalt  }
0x51: {  	_ =	shalt  }
0x52: {  	_ =	shalt  }
0x53: {  	_ =	shalt  }
0x54: {  	_ =	shalt  }
0x55: {  	_ =	shalt  }
0x56: {  	_ =	shalt  }
0x57: {  	_ =	shalt  }
0x58: {  	_ =	shalt  }
0x59: {  	_ =	shalt  }
0x5a: {  	_ =	shalt  }
0x5b: {  	_ =	shalt  }
0x5c: {  	_ =	shalt  }
0x5d: {  	_ =	shalt  }
0x5e: {  	_ =	shalt  }
0x5f: {  	_ =	shalt  }
0x60: {  	_ =	shalt  }
0x61: {  	_ =	shalt  }
0x62: {  	_ =	shalt  }
0x63: {  	_ =	shalt  }
0x64: {  	_ =	shalt  }
0x65: {  	_ =	shalt  }
0x66: {  	_ =	shalt  }
0x67: {  	_ =	shalt  }
0x68: {  	_ =	shalt  }
0x69: {  	_ =	shalt  }
0x6a: {  	_ =	shalt  }
0x6b: {  	_ =	shalt  }
0x6c: {  	_ =	shalt  }
0x6d: {  	_ =	shalt  }
0x6e: {  	_ =	shalt  }
0x6f: {  	_ =	shalt  }
0x70: {  	_ =	shalt  }
0x71: {  	_ =	shalt  }
0x72: {  	_ =	shalt  }
0x73: {  	_ =	shalt  }
0x74: {  	_ =	shalt  }
0x75: {  	_ =	shalt  }
0x76: {  	_ =	shalt  }
0x77: {  	_ =	shalt  }
0x78: {  	_ =	shalt  }
0x79: {  	_ =	shalt  }
0x7a: {  	_ =	shalt  }
0x7b: {  	_ =	shalt  }
0x7c: {  	_ =	shalt  }
0x7d: {  	_ =	shalt  }
0x7e: {  	_ =	shalt  }
0x7f: {  	_ =	shalt  }
0x80: {  	_ =	shalt  }
0x81: {  	_ =	shalt  }
0x82: {  	_ =	shalt  }
0x83: {  	_ =	shalt  }
0x84: {  	_ =	shalt  }
0x85: {  	_ =	shalt  }
0x86: {  	_ =	shalt  }
0x87: {  	_ =	shalt  }
.Lfunc_end0:
.L_simem_size_0:
called_computation_lowered:
.L_overlay_start_0:
0x88: {  	s2 =	sld [smem:$0x3FD9]  }
0x89: {  	s3 =	sld [smem:$0x3FFE];
	_ =	sdelay $0x1  }
0x8a: {  	s1 =	srdreg.scid  }
0x8b: {  	s0 =	sand.u32 $0x1, s1  }
0x8c: {  	s14 =	sshll.u32 s0, $0xA;
	s2 =	sadd.s32 s3, s2  }
0x8d: {  	s2 =	sadd.s32 s2, s14  }
0x8e: {  	[smem:$0x3FB4] =	sst s2  }
0x8f: {  	_ = 	snop  }
0x90: {  	s2 =	sld [smem:$0x3FD0];
	_ =	sdelay $0x2  }
0x91: {  	s15 =	simm.s32 $0xA;
	s4 =	simm.s32 $0x10  }
0x92: {  	[smem:s4], [sflag:s15] =	dma.local [hbm:s2], $0x1  }
0x93: {  	_ =	swait.eq [sflag:s15], $0x1  }
0x94: {  	[sflag:s15] =	ssyncset.done $0x0  }
0x95: {  	[sflag:s15] =	ssyncadd.s32 $0xFFFFFFFF  }
0x96: {  	s16 =	sld [smem:$0x12];
	(tm) =	ssettm $0x1  }
0x97: {  	s17 =	sld [smem:$0x3FFB];
	_ =	sdelay $0x3  }
0x98: {  	_ =	strace s17  }
0x99: {  	s3 =	sld [smem:$0x3FFC];
	_ =	sdelay $0x3  }
0x9a: {  	_ =	strace s3  }
0x9b: {  	s3 =	sld [smem:$0x3FFD];
	_ =	sdelay $0x3  }
0x9c: {  	_ =	strace s3  }
0x9d: {  	_ =	strace $0x8FFFFFFF  }
0x9e: {  	s18 =	sld [smem:$0x3FDB];
	_ =	sdelay $0x1  }
0x9f: {  	s19 =	simm.s32 $_scs_section_size  }
0xa0: {  	s5 =	simm.s32 $_size__tile_overlayer_lowered;
	s6 =	simm.s32 $_tile_overlayer_lowered  }
0xa1: {  	s22 =	simm.s32 $0x1BFF;
	s21 =	sshll.u32 s6, $0x1;
	s3 =	sadd.s32 s19, s18  }
0xa2: {  	s7 =	simm.s32 $0x0;
	s20 =	sshll.u32 s5, $0x1;
	s5 =	sadd.s32 s21, s3  }
0xa3: {  	[timem:s7], [sflag:s22] =	dma.local [hbm:s5], s20  }
0xa4: {  	_ =	swait.ge [sflag:s22], s20  }
0xa5: {  	s4 =	ssub.s32 $0x0, s20;
	[sflag:s22] =	ssyncset.done $0x0  }
0xa6: {  	[sflag:s22] =	ssyncadd.s32 s4;
	_ =	sdelay $0x1  }
0xa7: {  	s23 =	simm.s32 $0x1B8B  }
0xa8: {  	_ =	swait.ge [sflag:s23], $0x1  }
0xa9: {  	[sflag:s23] =	ssyncset.done $0x0  }
0xaa: {  	s25 =	simm.s32 $0x1B8E;
	s24 =	sld [smem:$0x3FFE];
	[sflag:s23] =	ssyncadd.s32 $0xFFFFFFFF  }
0xab: {  	s26 =	simm.s32 $execute0_lowered;
	[smem:$0x3FD2] =	sst s25  }
0xac: {  	s5 =	sshll.u32 s26, $0x1;
	_ =	strace $0x80000046;
	[dreg:$0x1] =	wrdreg $0xFFFFFFFF  }
0xad: {  	s28 =	simm.s32 $_size_execute0_lowered;
	s3 =	sadd.s32 s3, s5;
	[dreg:$0x0] =	wrdreg $0x0  }
0xae: {  	s5 =	sshll.u32 s28, $0x1;
	[dreg:$0x2] =	wrdreg s3  }
0xaf: {  	[dreg:$0x3] =	wrdreg s5  }
0xb0: {  	[dreg:$0x4] =	wrdreg $0xC0  }
0xb1: {  	_ =	task [dreg:s7], $0x5FFFF  }
0xb2: {  	[dreg:$0x1] =	wrdreg $0xFFFFFFFF  }
0xb3: {  	[dreg:$0x0] =	wrdreg $0x60  }
0xb4: {  	[dreg:$0x2] =	wrdreg s24  }
0xb5: {  	[dreg:$0x3] =	wrdreg s16  }
0xb6: {  	[dreg:$0x4] =	wrdreg $0x9  }
0xb7: {  	_ =	task.clear_ibuf [dreg:s7], $0x5FFFF;
	_ =	strace $0x90000046  }
0xb8: {  	s29 =	simm.s32 $0x9;
	_ =	strace $0x80000048  }
0xb9: {  	_ =	swait.ge [sflag:s29], $0x1  }
0xba: {  	[sflag:s29] =	ssyncadd.s32 $0xFFFFFFFF  }
0xbb: {  	_ =	strace $0x90000048  }
0xbc: {  	_ =	sfence  }
0xbd: {  	s30 =	sld [smem:$0x0];
	_ =	sdelay $0x2  }
0xbe: {  	s31 =	sshll.u32 s1, $0xD;
	s1 =	sshrl.u32 s1, $0x2  }
0xbf: {  	s3 =	sand.u32 $0x4000, s31;
	s1 =	sadd.s32 s1, s30  }
0xc0: {  	s0 =	sor.u32 s3, s0;
	s1 =	sshll.u32 s1, $0x11  }
0xc1: {  	s0 =	sor.u32 s1, s0  }
0xc2: {  	s0 =	sadd.s32 $0x8F2B, s0  }
0xc3: {  	[sflag:s0] =	ssyncadd.remote.s32 $0x1  }
0xc4: {  	_ =	sfence.sel $0xFFFF  }
0xc5: {  	[dreg:$0x0] =	wrdreg $0xFFFFFFFF;
	(pc) =	sbr.abs _section_cstart, $3  }
0xc6: {  	[dreg:$0x1] =	wrdreg $0xFFFFFFFF  }
0xc7: {  	_ =	task.clear_ibuf [dreg:s7], $0x2FFFF;
	_ =	strace $0x9FFFFFFF  }
0xc8: {  	(tm) =	ssettm $0x7FFFFFFF  }
0xc9: {  	_ =	shalt  }
tec
execute0_lowered:
.L_overlay_start_1:
0x0: {  	(tag) =	ssettag $0x1  }
0x1: {  	s1 =	srdreg.scid;
	s2 =	rddreg [dreg:$0x0]  }
0x2: {  	s0 =	stileid.u32;
	s3 =	rddreg [dreg:$0x1]  }
0x3: {  	s6 =	simm.s32 $0x1;
	s9 =	simm.s32 $0x1;
	s1 =	sshll.u32 s1, $0x9  }
0x4: {  	s10 =	simm.s32 $0x3;
	s4 =	sshll.u32 s0, $0xA;
	s5 =	sand.u32 $0x200, s1  }
0x5: {  	s13 =	simm.s32 $0x0;
	s12 =	simm.s32 $0x0;
	s4 =	sor.u32 s4, s5  }
0x6: {  	s1 =	rddreg [dreg:$0x2];
	_ =	strace $0x80000047;
	s8 =	ssub.s32 $0x8000, s4  }
.Ltmp0:
0x7: {  	s5 =	sadd.s32 $0x20000, s2;
	s7 =	sand.u32 $0x3E00, s8;
	(pc) =	sbr.rel .LBB2_1-.Ltmp0, $4  }
0x8: {  	[sflag:s6] =	ssyncpa.u1 $0x0;
	s11 =	smov.u32 s4;
	p0 =	sne.s32 s7, $0x0  }
0x9: {  	s8 =	sshrl.u32 s8, $0xE;
	s7 =	simm.s32 $0x2;
	s9 =	simm.s32 @!p0 $0x0  }
0xa: {  	[sflag:s7] =	ssyncpa.u1 $0x0;
	p0 =	por $0x0, $0x0;
	s8 =	sadd.s32 s9, s8  }
0xb: {  	vm0 =	vmmov $0xffff;
	[sflag:s10] =	ssyncpa.u1 $0x0;
	s10 =	simm.s32 $0x0;
	s9 =	sadd.s32 $0x1, s8  }
.LBB2_4:
0xc: {  	v5 =	vld.msk [tilespmem:s18+$0x0 ss:$0x1], $0xffff  }
0xd: {  	v6 =	vand.u32 $0x1, v1;
	v7 =	vshrl.u32 v1, $0x1  }
0xe: {  	v3 =	vor.u32 v4, v3;
	vm1 =	veq.s32 v1, $0x80000000;
	v53 =	vand.u32 $0x3FFFF, v7  }
0xf: {  	v2 =	vor.u32 v2, v3;
	v54 =	vsel vm1, $0xFFFFFFFF, v6;
	v1 =	vsel vm1, $0xFFFFFFFF, v53  }
0x10: {  	v6 =	vshll.u32 v54, $0x7;
	v3 =	vand.u32 $0xFFF80000, v54;
	v55 =	vand.u32 $0x7F, v1  }
0x11: {  	v1 =	vshll.u32 v1, $0x1;
	v6 =	vand.u32 $0x80, v6;
	v56 =	vshrl.u32 v5, $0x1  }
0x12: {  	v1 =	vand.u32 $0xFFFFFF00, v1;
	vm1 =	veq.s32 v5, $0x80000000;
	v57 =	vand.u32 $0x3FFFF, v56  }
0x13: {  	v1 =	vadd.s32 v3, v1;
	v5 =	vand.u32 $0x1, v5;
	v3 =	vsel vm1, $0xFFFFFFFF, v57  }
0x14: {  	v1 =	vor.u32 v6, v1;
	v5 =	vsel vm1, $0xFFFFFFFF, v5;
	v58 =	vshll.u32 v3, $0x1  }
0x15: {  	v59 =	vshll.u32 v5, $0x7;
	v5 =	vand.u32 $0xFFF80000, v5;
	v6 =	vand.u32 $0xFFFFFF00, v58  }
0x16: {  	v1 =	vor.u32 v55, v1;
	v61 =	vand.u32 $0x80, v59;
	v60 =	vadd.s32 v5, v6  }
0x17: {  	[tilespmem:s16], [sflag:$0x1] =	stream.indirect_vreg.gather [hbm4b:s2+s10], $0x1, v0, vm0, $0x4038;
	v62 =	vand.u32 $0x7F, v3;
	v63 =	vor.u32 v61, v60;
	[tilespmem:$0x800] =	vst v63  }
0x18: {  	(ifvalue) =	ssetifvalue $0x7FFFFFFF;
	v0 =	vor.u32 v62, v63  }
0x19: {  	[tilespmem:s15], [sflag:$0x1] =	stream.indirect_vreg.gather [hbm4b:s2+s10], $0x1, v2, vm0, $0x4038;
	[tilespmem:$0x800] =	vst v63  }
0x1a: {  	s29 =	sadd.s32 $0x10, s15;
	(ifvalue) =	ssetifvalue $0x7FFFFFFF  }
0x1b: {  	[tilespmem:s29], [sflag:$0x1] =	stream.indirect_vreg.gather [hbm4b:s2+s10], $0x1, v1, vm0, $0x4038;
	[tilespmem:$0x800] =	vst v63  }
0x1c: {  	s15 =	sadd.s32 $0x10, s29;
	(ifvalue) =	ssetifvalue $0x7FFFFFFF  }
0x1d: {  	[tilespmem:s15], [sflag:$0x1] =	stream.indirect_vreg.gather [hbm4b:s2+s10], $0x1, v0, vm0, $0x4038;
	[tilespmem:$0x800] =	vst v63  }
0x1e: {  	_ =	swait.ge [sflag:s6], $0x200  }
0x1f: {  	s30 =	sshrl.u32 s13, $0x3;
	[sflag:s6] =	ssyncset.done $0x0  }
0x20: {  	s31 =	sand.u32 $0x7, s13;
	s15 =	sadd.s32 s5, s30;
	[sflag:s6] =	ssyncadd.s32 $0xFFFFFE00  }
0x21: {  	[hbm4b:s15+s31] =	stream.linear.scatter [tilespmem:s14], [sflag:$0x3], $0x200, $0x38;
	[tilespmem:$0x800] =	vst v63  }
.LBB2_5:
0x22: {  	s15 =	sadd.s32 $0x4000, s11  }
0x23: {  	p2 =	sgt.s32 s15, $0x7FFF  }
0x24: {  	s15 =	smov.u32 @p2 s4;
	p2 =	sne.s32 s12, s9  }
.Ltmp1:
0x25: {  	p1 =	slt.u32 s12, $0x2;
	(pc) =	sbr.rel @!p2 .LBB2_6-.Ltmp1, $4  }
0x26: {  	s14 =	simm.s32 @!p1 $0x3  }
0x27: {  	s16 =	sadd.s32 $0x1, s12;
	_ =	swait.ge @!p1 [sflag:s14], $0x200  }
0x28: {  	s13 =	smov.u32 s11;
	p0 =	por !p0, !p0;
	[sflag:s14] =	ssyncset.done @!p1 $0x0  }
0x29: {  	s12 =	smov.u32 s16;
	s11 =	smov.u32 s15;
	[sflag:s14] =	ssyncadd.s32 @!p1 $0xFFFFFE00  }
.LBB2_1:
0x2a: {  	p1 =	sge.u32 s12, s8  }
0x2b: {  	s14 =	sxor.u32 @!p1 $0xFFFFFFFF, s12  }
0x2c: {  	s31 =	sadd.s32 $0xFFFFFFFF, s12;
	s15 =	sshrl.u32 @!p1 s11, $0x3;
	s14 =	sshll.u32 @!p1 s14, $0x9  }
0x2d: {  	s16 =	sand.u32 @!p1 $0x7, s11;
	s15 =	sadd.s32 @!p1 s3, s15;
	s14 =	sand.u32 @!p1 $0x200, s14  }
0x2e: {  	[tilespmem:s14], [sflag:$0x2] =	stream.linear.gather @!p1 [hbm4b:s15+s16], $0x200, $0x38;
	[tilespmem:$0x800] =	vst v63  }
0x2f: {  	p1 =	sge.u32 s31, s8  }
.Ltmp2:
0x30: {  	_ = 	snop;
	(pc) =	sbr.rel @p1 .LBB2_5-.Ltmp2, $1  }
0x31: {  	_ =	sdelay $0x3  }
0x32: {  	s14 =	simm.s32 $0x1  }
0x33: {  	_ =	swait.ge [sflag:s7], $0x200;
	s14 =	simm.s32 @!p0 $0x0  }
0x34: {  	[sflag:s7] =	ssyncset.done $0x0;
	s14 =	sshll.u32 s14, $0x9  }
0x35: {  	[sflag:s7] =	ssyncadd.s32 $0xFFFFFE00;
	(ifvalue) =	ssetifvalue $0x7FFFFFFF;
	v0 =	vld.msk [tilespmem:s14+$0x0 ss:$0x1], $0xffff;
	_ =	sdelay $0x4  }
0x36: {  	s15 =	sadd.s32 $0x10, s14;
	v2 =	vshrl.u32 v0, $0x1  }
0x37: {  	v1 =	vld.msk [tilespmem:s15+$0x0 ss:$0x1], $0xffff;
	vm1 =	veq.s32 v0, $0x80000000;
	v2 =	vand.u32 $0x3FFFF, v2  }
0x38: {  	v0 =	vand.u32 $0x1, v0;
	v2 =	vsel vm1, $0xFFFFFFFF, v2  }
0x39: {  	v0 =	vsel vm1, $0xFFFFFFFF, v0;
	v3 =	vshll.u32 v2, $0x1  }
0x3a: {  	v4 =	vand.u32 $0xFFF80000, v0;
	v0 =	vshll.u32 v0, $0x7;
	v3 =	vand.u32 $0xFFFFFF00, v3  }
0x3b: {  	v0 =	vand.u32 $0x80, v0;
	v3 =	vadd.s32 v4, v3  }
0x3c: {  	v2 =	vand.u32 $0x7F, v2;
	v4 =	vshrl.u32 v1, $0x1;
	v0 =	vor.u32 v0, v3  }
0x3d: {  	vm1 =	veq.s32 v1, $0x80000000;
	v4 =	vand.u32 $0x3FFFF, v4;
	v0 =	vor.u32 v2, v0  }
0x3e: {  	s16 =	sshll.u32 s12, $0x9;
	s15 =	sadd.s32 $0x10, s15;
	v1 =	vand.u32 $0x1, v1;
	v3 =	vsel vm1, $0xFFFFFFFF, v4  }
0x3f: {  	s17 =	sand.u32 $0x200, s16;
	v2 =	vsel vm1, $0xFFFFFFFF, v1;
	v1 =	vld.msk [tilespmem:s15+$0x0 ss:$0x1], $0xffff;
	v4 =	vshll.u32 v3, $0x1  }
0x40: {  	s16 =	sor.u32 $0x400, s14;
	s14 =	sor.u32 $0x400, s17;
	s17 =	simm.s32 $0x30;
	v5 =	vshll.u32 v2, $0x7;
	v6 =	vand.u32 $0xFFF80000, v2;
	v4 =	vand.u32 $0xFFFFFF00, v4  }
0x41: {  	s18 =	sadd.s32 $0x10, s15;
	(ifvalue) =	ssetifvalue $0x7FFFFFFF;
	s15 =	sadd.s32 $0x10, s16;
	v2 =	vand.u32 $0x7F, v3;
	v3 =	vadd.s32 v6, v4;
	v4 =	vand.u32 $0x80, v5  }
.LBB2_3:
0x42: {  	[tilespmem:s16], [sflag:$0x1] =	stream.indirect_vreg.gather [hbm4b:s2+s10], $0x1, v0, vm0, $0x4038;
	[tilespmem:$0x800] =	vst v63  }
0x43: {  	s17 =	sadd.s32 $0x10, s17  }
0x44: {  	v5 =	vand.u32 $0x1, v1;
	v6 =	vshrl.u32 v1, $0x1;
	v3 =	vor.u32 v4, v3;
	v0 =	vmovc v1;
	v1 =	vld.msk [tilespmem:s18+$0x0 ss:$0x1], $0xffff;
	p1 =	slt.u32 s17, $0x1F0  }
.Ltmp3:
0x45: {  	s16 =	smov.u32 s15;
	vm1 =	veq.s32 v0, $0x80000000;
	v4 =	vand.u32 $0x3FFFF, v6;
	v0 =	vor.u32 v2, v3;
	(pc) =	sbr.rel @p1 .LBB2_3-.Ltmp3, $4  }
0x46: {  	v3 =	vsel vm1, $0xFFFFFFFF, v5;
	v4 =	vsel vm1, $0xFFFFFFFF, v4  }
0x47: {  	v2 =	vand.u32 $0x7F, v4;
	v4 =	vshll.u32 v4, $0x1;
	v5 =	vshll.u32 v3, $0x7  }
0x48: {  	v3 =	vand.u32 $0xFFF80000, v3;
	v4 =	vand.u32 $0xFFFFFF00, v4  }
0x49: {  	s18 =	sadd.s32 $0x10, s18;
	s15 =	sadd.s32 $0x10, s15;
	v3 =	vadd.s32 v3, v4;
	v4 =	vand.u32 $0x80, v5;
	(ifvalue) =	ssetifvalue $0x7FFFFFFF  }
.Ltmp4:
0x4a: {  	_ = 	snop;
	(pc) =	sbr.rel .LBB2_4-.Ltmp4, $1  }
0x4b: {  	_ =	sdelay $0x3  }
.LBB2_6:
0x4c: {  	_ =	sfence.sel $0x180000  }
0x4d: {  	s2 =	simm.s32 $0x2;
	[bflag:$0x0] =	sbarrier.arrive $0xFFFF  }
0x4e: {  	s30 =	simm.s32 $0x3;
	[sflag:s2] =	ssyncpa.u1 $0x1  }
0x4f: {  	s31 =	simm.s32 $0x1;
	[sflag:s30] =	ssyncpa.u1 $0x1  }
0x50: {  	[sflag:s31] =	ssyncpa.u1 $0x1  }
0x51: {  	p0 =	sne.s32 s0, $0x0;
	_ =	strace $0x90000047  }
0x52: {  	s0 =	sadd.s32 @!p0 $0x100000, s1;
	[bflag:$0x2] =	sbarrier.arrive $0xFFFF  }
0x53: {  	[sflag:s0] =	ssyncadd.tile.s32 @!p0 $0x1;
	_ =	shalt  }
.Lfunc_end2:
_tile_overlayer_lowered:
.L_overlay_start_2:
0x54: {  	(tag) =	ssettag $0x2  }
0x55: {  	s0 =	rddreg [dreg:$0x0];
	s2 =	stileid.u32  }
0x56: {  	s1 =	rddreg [dreg:$0x1];
	p0 =	sne.s32 s2, $0x0  }
0x57: {  	s3 =	rddreg [dreg:$0x2];
	[bflag:$0x3] =	sbarrier.arrive $0xFFFF;
	s2 =	simm.s32 @!p0 $0x1C01  }
0x58: {  	[timem:s3], [sflag:s2] =	dma.local @!p0 [hbm:s0], s1  }
0x59: {  	s0 =	simm.s32 @!p0 $0x1  }
0x5a: {  	_ =	swait.ge @!p0 [sflag:s0], s1  }
0x5b: {  	s1 =	ssub.s32 @!p0 $0x0, s1;
	[sflag:s0] =	ssyncset.done @!p0 $0x0  }
0x5c: {  	[sflag:s0] =	ssyncadd.s32 @!p0 s1  }
0x5d: {  	[bflag:$0x3] =	sbarrier.arrive $0xFFFF  }
0x5e: {  	_ =	shalt  }

</sc_bundles>
